<compile_context>
chip_gen: v7x
topology: tpu7x:2x2x1
jax: 0.10.2.dev20260603
libtpu: 0.0.44.dev20260713+nightly
codegen_flags: <defaults>
</compile_context>

<pallas_src>
import functools

import jax
import jax.numpy as jnp
from jax import lax
from jax.experimental import pallas as pl
from jax.experimental.pallas import tpu as pltpu
from jax.experimental.pallas import tpu_sc as plsc

_V = 1024
_D = 4096
_B = 8 * 1024


@functools.lru_cache(maxsize=None)
def _make_gather(V, D, B):
    info = plsc.get_sparse_core_info()
    NC, NS = info.num_cores, info.num_subcores
    NW = NC * NS
    assert B % (8 * NW) == 0
    b_per_w = B // NW
    C = 8
    n_chunks = b_per_w // C
    n_pairs = n_chunks // 2
    assert n_chunks == 2 * n_pairs and n_pairs >= 2
    mesh = plsc.VectorSubcoreMesh(core_axis_name="c", subcore_axis_name="s")

    @functools.partial(
        pl.kernel,
        mesh=mesh,
        out_type=jax.ShapeDtypeStruct((B, D), jnp.float32),
        scratch_types=[
            pltpu.VMEM((b_per_w,), jnp.int32),
            pltpu.VMEM((C, D), jnp.float32),
            pltpu.VMEM((C, D), jnp.float32),
            pltpu.SemaphoreType.DMA,
            pltpu.SemaphoreType.DMA,
            pltpu.SemaphoreType.DMA,
            pltpu.SemaphoreType.DMA,
        ],
    )
    def k(idx_hbm, table_hbm, out_hbm, idx_v, buf0, buf1, g0, g1, o0, o1):
        wid = lax.axis_index("s") * NC + lax.axis_index("c")
        base = wid * b_per_w
        pltpu.sync_copy(idx_hbm.at[pl.ds(base, b_per_w)], idx_v)

        def gather(i, buf, sem):
            return pltpu.make_async_copy(
                table_hbm.at[idx_v.at[pl.ds(i * C, C)]], buf, sem)

        def outcopy(i, buf, sem):
            return pltpu.make_async_copy(
                buf, out_hbm.at[pl.ds(base + i * C, C)], sem)

        gather(0, buf0, g0).start()

        def body(j, carry):
            i0 = 2 * j

            @pl.when(j >= 1)
            def _():
                outcopy(i0 - 1, buf1, o1).wait()

            gather(i0 + 1, buf1, g1).start()
            gather(i0, buf0, g0).wait()
            outcopy(i0, buf0, o0).start()

            @pl.when(j + 1 < n_pairs)
            def _():
                outcopy(i0, buf0, o0).wait()
                gather(i0 + 2, buf0, g0).start()

            gather(i0 + 1, buf1, g1).wait()
            outcopy(i0 + 1, buf1, o1).start()
            return carry

        lax.fori_loop(0, n_pairs, body, 0)
        outcopy(n_chunks - 2, buf0, o0).wait()
        outcopy(n_chunks - 1, buf1, o1).wait()

    return k


def kernel(indices, table):
    idx_flat = indices.reshape(-1).astype(jnp.int32)
    out = _make_gather(_V, _D, _B)(idx_flat, table)
    return out.reshape(indices.shape[0], indices.shape[1], table.shape[1])

# --- scband reference (transcript-rebuilt; emitter-appended) ---
"""Pipeline reference for scband-prompt-embedding-3599182594820 (READ-ONLY COPY).

The authoritative reference and input builder live on the scoring server;
editing this copy changes nothing except your own understanding.
"""

import jax, jax.numpy as jnp
import numpy as np

NUM_VIRTUAL_TOKENS = 1024
TOKEN_DIM = 4096
BATCH = 8


def setup_inputs(seed: int = 0) -> dict:
    key = jax.random.key(seed)
    k1, k2 = jax.random.split(key)
    # learned embedding table, sized per init_kwargs (num_virtual_tokens x token_dim)
    table = jax.random.normal(k1, (NUM_VIRTUAL_TOKENS, TOKEN_DIM), dtype=jnp.float32) * 0.02
    indices = jax.random.randint(k2, (BATCH, NUM_VIRTUAL_TOKENS), 0, NUM_VIRTUAL_TOKENS, dtype=jnp.int64 if jax.config.jax_enable_x64 else jnp.int32)
    return {"indices": indices, "table": table}


def reference(indices, table):
    # PromptEmbedding.forward: prompt_embeddings = self.embedding(indices)
    prompt_embeddings = jnp.take(table, indices, axis=0)
    return prompt_embeddings

if __name__ == "__main__":
    import jax
    _d = setup_inputs()
    print(jax.jit(kernel)(*tuple(_d.values())))

</pallas_src>

<mosaic_0001>
#map = affine_map<(d0, d1) -> (0)>
#map1 = affine_map<(d0, d1) -> (0, 0)>
module attributes {stable_mosaic.version = 14 : i64} {
  func.func @k(%arg0: i32, %arg1: i32, %arg2: memref<8192xi32, #tpu.memory_space<hbm>>, %arg3: memref<1024x4096xf32, #tpu.memory_space<hbm>>, %arg4: memref<8192x4096xf32, #tpu.memory_space<hbm>>, %arg5: memref<256xi32, #tpu.memory_space<vmem>>, %arg6: memref<8x4096xf32, #tpu.memory_space<vmem>>, %arg7: memref<8x4096xf32, #tpu.memory_space<vmem>>, %arg8: memref<!tpu.dma_semaphore, #tpu.memory_space<semaphore_mem>>, %arg9: memref<!tpu.dma_semaphore, #tpu.memory_space<semaphore_mem>>, %arg10: memref<!tpu.dma_semaphore, #tpu.memory_space<semaphore_mem>>, %arg11: memref<!tpu.dma_semaphore, #tpu.memory_space<semaphore_mem>>) attributes {dimension_semantics = [#tpu.dimension_semantics<core_parallel>, #tpu.dimension_semantics<subcore_parallel>], iteration_bounds = array<i64: 2, 16>, scalar_prefetch = 0 : i64, scratch_operands = 7 : i64, tpu.core_type = #tpu.core_type<sc_vector_subcore>, window_params = [{transform_indices = #map}, {transform_indices = #map1}, {transform_indices = #map1}]} {
    %mul3A = arith.constant 2 : i32
    %mul3A_0 = arith.muli %arg1, %mul3A : i32
    %add3A = arith.addi %mul3A_0, %arg0 : i32
    %mul3A_1 = arith.constant 256 : i32
    %mul3A_2 = arith.muli %add3A, %mul3A_1 : i32
    "tpu.region"() ({
      %run_scoped3A = tpu.sem_alloc : memref<!tpu.dma_semaphore, #tpu.memory_space<semaphore_mem>>
      %dma_start3A_23 = tpu.memref_slice %arg2[%mul3A_2] : memref<8192xi32, #tpu.memory_space<hbm>> -> memref<256xi32, #tpu.memory_space<hbm>>
      %dma_start3A_24 = tpu.memref_slice %arg2[%mul3A_2] : memref<8192xi32, #tpu.memory_space<hbm>> -> memref<256xi32, #tpu.memory_space<hbm>>
      tpu.enqueue_dma source(%dma_start3A_24 : memref<256xi32, #tpu.memory_space<hbm>>) target(%arg5 : memref<256xi32, #tpu.memory_space<vmem>>) target_semaphore(%run_scoped3A : memref<!tpu.dma_semaphore, #tpu.memory_space<semaphore_mem>>)
      %dma_wait3A_25 = tpu.memref_slice %arg2[%mul3A_2] : memref<8192xi32, #tpu.memory_space<hbm>> -> memref<256xi32, #tpu.memory_space<hbm>>
      %dma_wait3A_26 = tpu.memref_slice %arg2[%mul3A_2] : memref<8192xi32, #tpu.memory_space<hbm>> -> memref<256xi32, #tpu.memory_space<hbm>>
      tpu.wait_dma2 semaphore(%run_scoped3A : memref<!tpu.dma_semaphore, #tpu.memory_space<semaphore_mem>>) src(%dma_wait3A_26 : memref<256xi32, #tpu.memory_space<hbm>>) dst(%arg5 : memref<256xi32, #tpu.memory_space<vmem>>)
      tpu.yield
    }) : () -> ()
    %dma_start3A = arith.constant 0 : i32
    %dma_start3A_3 = tpu.memref_slice %arg5[%dma_start3A] : memref<256xi32, #tpu.memory_space<vmem>> -> memref<8xi32, #tpu.memory_space<vmem>>
    %dma_start3A_4 = arith.constant 0 : i32
    %dma_start3A_5 = arith.constant 0 : i32
    %dma_start3A_6 = tpu.memref_slice %arg3[%dma_start3A_4, %dma_start3A_5] : memref<1024x4096xf32, #tpu.memory_space<hbm>> -> memref<1024x4096xf32, #tpu.memory_space<hbm>>
    tpu.enqueue_indirect_dma source(%dma_start3A_6 : memref<1024x4096xf32, #tpu.memory_space<hbm>>) target(%arg6 : memref<8x4096xf32, #tpu.memory_space<vmem>>) offsets(%dma_start3A_3 : memref<8xi32, #tpu.memory_space<vmem>>) semaphore(%arg8 : memref<!tpu.dma_semaphore, #tpu.memory_space<semaphore_mem>>)
    %scan3A = arith.constant 0 : i32
    %scan3A_7 = arith.constant 0 : i32
    %scan3A_8 = arith.constant 16 : i32
    %scan3A_9 = arith.addi %scan3A_7, %scan3A_8 : i32
    %scan3A_10 = arith.constant 1 : i32
    scf.for %scan3A_23 = %scan3A_7 to %scan3A_9 step %scan3A_10  : i32 {
      %mul3A_24 = arith.constant 2 : i32
      %mul3A_25 = arith.muli %mul3A_24, %scan3A_23 : i32
      %ge3A = arith.constant 1 : i32
      %ge3A_26 = arith.cmpi sge, %scan3A_23, %ge3A : i32
      %convert_element_type3A = arith.extui %ge3A_26 : i1 to i32
      %cond3A = arith.constant 0 : i32
      %cond3A_27 = arith.cmpi ne, %convert_element_type3A, %cond3A : i32
      scf.if %cond3A_27 {
        %sub3A = arith.constant 1 : i32
        %sub3A_72 = arith.subi %mul3A_25, %sub3A : i32
        %mul3A_73 = arith.constant 8 : i32
        %mul3A_74 = arith.muli %sub3A_72, %mul3A_73 : i32
        %add3A_75 = arith.addi %mul3A_2, %mul3A_74 : i32
        %dma_wait3A_76 = arith.constant 0 : i32
        %dma_wait3A_77 = tpu.memref_slice %arg4[%add3A_75, %dma_wait3A_76] : memref<8192x4096xf32, #tpu.memory_space<hbm>> -> memref<8x4096xf32, #tpu.memory_space<hbm>>
        %dma_wait3A_78 = arith.constant 0 : i32
        %dma_wait3A_79 = tpu.memref_slice %arg4[%add3A_75, %dma_wait3A_78] : memref<8192x4096xf32, #tpu.memory_space<hbm>> -> memref<8x4096xf32, #tpu.memory_space<hbm>>
        tpu.wait_dma2 semaphore(%arg11 : memref<!tpu.dma_semaphore, #tpu.memory_space<semaphore_mem>>) src(%arg7 : memref<8x4096xf32, #tpu.memory_space<vmem>>) dst(%dma_wait3A_79 : memref<8x4096xf32, #tpu.memory_space<hbm>>)
      } else {
      }
      %add3A_28 = arith.constant 1 : i32
      %add3A_29 = arith.addi %mul3A_25, %add3A_28 : i32
      %mul3A_30 = arith.constant 8 : i32
      %mul3A_31 = arith.muli %add3A_29, %mul3A_30 : i32
      %dma_start3A_32 = tpu.memref_slice %arg5[%mul3A_31] : memref<256xi32, #tpu.memory_space<vmem>> -> memref<8xi32, #tpu.memory_space<vmem>>
      %dma_start3A_33 = arith.constant 0 : i32
      %dma_start3A_34 = arith.constant 0 : i32
      %dma_start3A_35 = tpu.memref_slice %arg3[%dma_start3A_33, %dma_start3A_34] : memref<1024x4096xf32, #tpu.memory_space<hbm>> -> memref<1024x4096xf32, #tpu.memory_space<hbm>>
      tpu.enqueue_indirect_dma source(%dma_start3A_35 : memref<1024x4096xf32, #tpu.memory_space<hbm>>) target(%arg7 : memref<8x4096xf32, #tpu.memory_space<vmem>>) offsets(%dma_start3A_32 : memref<8xi32, #tpu.memory_space<vmem>>) semaphore(%arg9 : memref<!tpu.dma_semaphore, #tpu.memory_space<semaphore_mem>>)
      %mul3A_36 = arith.constant 8 : i32
      %mul3A_37 = arith.muli %mul3A_25, %mul3A_36 : i32
      %dma_wait3A_38 = tpu.memref_slice %arg5[%mul3A_37] : memref<256xi32, #tpu.memory_space<vmem>> -> memref<8xi32, #tpu.memory_space<vmem>>
      %dma_wait3A_39 = arith.constant 0 : i32
      %dma_wait3A_40 = arith.constant 0 : i32
      %dma_wait3A_41 = tpu.memref_slice %arg3[%dma_wait3A_39, %dma_wait3A_40] : memref<1024x4096xf32, #tpu.memory_space<hbm>> -> memref<1024x4096xf32, #tpu.memory_space<hbm>>
      tpu.wait_indirect_dma semaphore(%arg8 : memref<!tpu.dma_semaphore, #tpu.memory_space<semaphore_mem>>) src(%dma_wait3A_41 : memref<1024x4096xf32, #tpu.memory_space<hbm>>) dst(%arg6 : memref<8x4096xf32, #tpu.memory_space<vmem>>)
      %mul3A_42 = arith.constant 8 : i32
      %mul3A_43 = arith.muli %mul3A_25, %mul3A_42 : i32
      %add3A_44 = arith.addi %mul3A_2, %mul3A_43 : i32
      %dma_start3A_45 = arith.constant 0 : i32
      %dma_start3A_46 = tpu.memref_slice %arg4[%add3A_44, %dma_start3A_45] : memref<8192x4096xf32, #tpu.memory_space<hbm>> -> memref<8x4096xf32, #tpu.memory_space<hbm>>
      %dma_start3A_47 = arith.constant 0 : i32
      %dma_start3A_48 = tpu.memref_slice %arg4[%add3A_44, %dma_start3A_47] : memref<8192x4096xf32, #tpu.memory_space<hbm>> -> memref<8x4096xf32, #tpu.memory_space<hbm>>
      tpu.enqueue_dma source(%arg6 : memref<8x4096xf32, #tpu.memory_space<vmem>>) target(%dma_start3A_48 : memref<8x4096xf32, #tpu.memory_space<hbm>>) target_semaphore(%arg10 : memref<!tpu.dma_semaphore, #tpu.memory_space<semaphore_mem>>)
      %add3A_49 = arith.constant 1 : i32
      %add3A_50 = arith.addi %scan3A_23, %add3A_49 : i32
      %lt3A = arith.constant 16 : i32
      %lt3A_51 = arith.cmpi slt, %add3A_50, %lt3A : i32
      %convert_element_type3A_52 = arith.extui %lt3A_51 : i1 to i32
      %cond3A_53 = arith.constant 0 : i32
      %cond3A_54 = arith.cmpi ne, %convert_element_type3A_52, %cond3A_53 : i32
      scf.if %cond3A_54 {
        %mul3A_72 = arith.constant 8 : i32
        %mul3A_73 = arith.muli %mul3A_25, %mul3A_72 : i32
        %add3A_74 = arith.addi %mul3A_2, %mul3A_73 : i32
        %dma_wait3A_75 = arith.constant 0 : i32
        %dma_wait3A_76 = tpu.memref_slice %arg4[%add3A_74, %dma_wait3A_75] : memref<8192x4096xf32, #tpu.memory_space<hbm>> -> memref<8x4096xf32, #tpu.memory_space<hbm>>
        %dma_wait3A_77 = arith.constant 0 : i32
        %dma_wait3A_78 = tpu.memref_slice %arg4[%add3A_74, %dma_wait3A_77] : memref<8192x4096xf32, #tpu.memory_space<hbm>> -> memref<8x4096xf32, #tpu.memory_space<hbm>>
        tpu.wait_dma2 semaphore(%arg10 : memref<!tpu.dma_semaphore, #tpu.memory_space<semaphore_mem>>) src(%arg6 : memref<8x4096xf32, #tpu.memory_space<vmem>>) dst(%dma_wait3A_78 : memref<8x4096xf32, #tpu.memory_space<hbm>>)
        %add3A_79 = arith.constant 2 : i32
        %add3A_80 = arith.addi %mul3A_25, %add3A_79 : i32
        %mul3A_81 = arith.constant 8 : i32
        %mul3A_82 = arith.muli %add3A_80, %mul3A_81 : i32
        %dma_start3A_83 = tpu.memref_slice %arg5[%mul3A_82] : memref<256xi32, #tpu.memory_space<vmem>> -> memref<8xi32, #tpu.memory_space<vmem>>
        %dma_start3A_84 = arith.constant 0 : i32
        %dma_start3A_85 = arith.constant 0 : i32
        %dma_start3A_86 = tpu.memref_slice %arg3[%dma_start3A_84, %dma_start3A_85] : memref<1024x4096xf32, #tpu.memory_space<hbm>> -> memref<1024x4096xf32, #tpu.memory_space<hbm>>
        tpu.enqueue_indirect_dma source(%dma_start3A_86 : memref<1024x4096xf32, #tpu.memory_space<hbm>>) target(%arg6 : memref<8x4096xf32, #tpu.memory_space<vmem>>) offsets(%dma_start3A_83 : memref<8xi32, #tpu.memory_space<vmem>>) semaphore(%arg8 : memref<!tpu.dma_semaphore, #tpu.memory_space<semaphore_mem>>)
      } else {
      }
      %add3A_55 = arith.constant 1 : i32
      %add3A_56 = arith.addi %mul3A_25, %add3A_55 : i32
      %mul3A_57 = arith.constant 8 : i32
      %mul3A_58 = arith.muli %add3A_56, %mul3A_57 : i32
      %dma_wait3A_59 = tpu.memref_slice %arg5[%mul3A_58] : memref<256xi32, #tpu.memory_space<vmem>> -> memref<8xi32, #tpu.memory_space<vmem>>
      %dma_wait3A_60 = arith.constant 0 : i32
      %dma_wait3A_61 = arith.constant 0 : i32
      %dma_wait3A_62 = tpu.memref_slice %arg3[%dma_wait3A_60, %dma_wait3A_61] : memref<1024x4096xf32, #tpu.memory_space<hbm>> -> memref<1024x4096xf32, #tpu.memory_space<hbm>>
      tpu.wait_indirect_dma semaphore(%arg9 : memref<!tpu.dma_semaphore, #tpu.memory_space<semaphore_mem>>) src(%dma_wait3A_62 : memref<1024x4096xf32, #tpu.memory_space<hbm>>) dst(%arg7 : memref<8x4096xf32, #tpu.memory_space<vmem>>)
      %add3A_63 = arith.constant 1 : i32
      %add3A_64 = arith.addi %mul3A_25, %add3A_63 : i32
      %mul3A_65 = arith.constant 8 : i32
      %mul3A_66 = arith.muli %add3A_64, %mul3A_65 : i32
      %add3A_67 = arith.addi %mul3A_2, %mul3A_66 : i32
      %dma_start3A_68 = arith.constant 0 : i32
      %dma_start3A_69 = tpu.memref_slice %arg4[%add3A_67, %dma_start3A_68] : memref<8192x4096xf32, #tpu.memory_space<hbm>> -> memref<8x4096xf32, #tpu.memory_space<hbm>>
      %dma_start3A_70 = arith.constant 0 : i32
      %dma_start3A_71 = tpu.memref_slice %arg4[%add3A_67, %dma_start3A_70] : memref<8192x4096xf32, #tpu.memory_space<hbm>> -> memref<8x4096xf32, #tpu.memory_space<hbm>>
      tpu.enqueue_dma source(%arg7 : memref<8x4096xf32, #tpu.memory_space<vmem>>) target(%dma_start3A_71 : memref<8x4096xf32, #tpu.memory_space<hbm>>) target_semaphore(%arg11 : memref<!tpu.dma_semaphore, #tpu.memory_space<semaphore_mem>>)
    }
    %scan3A_11 = arith.constant 16 : i32
    %add3A_12 = arith.constant 240 : i32
    %add3A_13 = arith.addi %mul3A_2, %add3A_12 : i32
    %dma_wait3A = arith.constant 0 : i32
    %dma_wait3A_14 = tpu.memref_slice %arg4[%add3A_13, %dma_wait3A] : memref<8192x4096xf32, #tpu.memory_space<hbm>> -> memref<8x4096xf32, #tpu.memory_space<hbm>>
    %dma_wait3A_15 = arith.constant 0 : i32
    %dma_wait3A_16 = tpu.memref_slice %arg4[%add3A_13, %dma_wait3A_15] : memref<8192x4096xf32, #tpu.memory_space<hbm>> -> memref<8x4096xf32, #tpu.memory_space<hbm>>
    tpu.wait_dma2 semaphore(%arg10 : memref<!tpu.dma_semaphore, #tpu.memory_space<semaphore_mem>>) src(%arg6 : memref<8x4096xf32, #tpu.memory_space<vmem>>) dst(%dma_wait3A_16 : memref<8x4096xf32, #tpu.memory_space<hbm>>)
    %add3A_17 = arith.constant 248 : i32
    %add3A_18 = arith.addi %mul3A_2, %add3A_17 : i32
    %dma_wait3A_19 = arith.constant 0 : i32
    %dma_wait3A_20 = tpu.memref_slice %arg4[%add3A_18, %dma_wait3A_19] : memref<8192x4096xf32, #tpu.memory_space<hbm>> -> memref<8x4096xf32, #tpu.memory_space<hbm>>
    %dma_wait3A_21 = arith.constant 0 : i32
    %dma_wait3A_22 = tpu.memref_slice %arg4[%add3A_18, %dma_wait3A_21] : memref<8192x4096xf32, #tpu.memory_space<hbm>> -> memref<8x4096xf32, #tpu.memory_space<hbm>>
    tpu.wait_dma2 semaphore(%arg11 : memref<!tpu.dma_semaphore, #tpu.memory_space<semaphore_mem>>) src(%arg7 : memref<8x4096xf32, #tpu.memory_space<vmem>>) dst(%dma_wait3A_22 : memref<8x4096xf32, #tpu.memory_space<hbm>>)
    return
  }
}

</mosaic_0001>

<sc_bundles>
// kernel: kernel.3.cloned.1.call-start
scs
__scs_entry_jumppad:
0x0: {  	(pc) =	sbr.rel $0x88, $3  }
0x1: {  	(tag) =	ssettag $0x0;
	lr =	simm.s32 $0x1  }
0x2: {  	[smem:$0x3F9F] =	sst lr;
	_ =	strace $0xD0000000  }
0x3: {  	_ = 	snop  }
0x4: {  	_ = 	snop  }
0x5: {  	_ = 	snop  }
0x6: {  	_ = 	snop  }
0x7: {  	_ = 	snop  }
__scs_overlays_trampoline_lowered:
0x8: {  	[smem:$0x3FAE] =	sst s0  }
0x9: {  	[smem:$0x3FAF] =	sst s1  }
0xa: {  	[smem:$0x3FB0] =	sst s2  }
0xb: {  	[smem:$0x3FB1] =	sst s3  }
0xc: {  	[smem:$0x3FB2] =	sst s4  }
0xd: {  	[smem:$0x3FB3] =	sst s5  }
0xe: {  	[smem:$0x3FB4] =	sst s6  }
0xf: {  	[smem:$0x3FB5] =	sst s7  }
0x10: {  	[smem:$0x3FB6] =	sst s8  }
0x11: {  	[smem:$0x3FB7] =	sst s9;
	s0 =	simm.s32 @!p0 $0x0  }
0x12: {  	s1 =	sld [smem:$0x3F9D];
	s0 =	simm.s32 @p0 $0x1  }
0x13: {  	[smem:$0x3FB8] =	sst s0;
	s0 =	simm.s32 @!p1 $0x0  }
0x14: {  	s2 =	sld [smem:$0x3F9C];
	s0 =	simm.s32 @p1 $0x1  }
0x15: {  	[smem:$0x3FB9] =	sst s0;
	s0 =	simm.s32 @!p2 $0x0  }
0x16: {  	s3 =	sld [smem:$0x3FDB];
	s0 =	simm.s32 @p2 $0x1  }
0x17: {  	s4 =	simm.s32 $0x1BF5;
	[smem:$0x3FBB] =	sst s0  }
0x18: {  	s0 =	sld [smem:$0x3F9E];
	_ =	swait.ge [sflag:s4], $0x0  }
0x19: {  	s7 =	sld [smem:$0x3F9F]  }
0x1a: {  	s8 =	sadd.s32 $0xFFFFE003, lr  }
0x1b: {  	s9 =	sadd.s32 $0xFFFFFEF7, lr;
	s5 =	simm.s32 $0xFFFFFFFF;
	p2 =	slt.u32 s8, $0xFFFFF086  }
0x1c: {  	p1 =	slt.u32 s9, $0xF7A;
	s5 =	simm.s32 @!p2 $0x0  }
0x1d: {  	s5 =	simm.s32 @p1 $0x1;
	p0 =	seq.s32 s7, s2  }
0x1e: {  	s7 =	smul.u32 @!p0 $0xF7A, s2;
	p2 =	seq.s32 @!p0 s5, $0x0  }
0x1f: {  	s9 =	smul.u32 $0xF7A, s1;
	s8 =	simm.s32 @!p0 $0x1BF5;
	p2 =	por !p2, p0  }
0x20: {  	[sflag:s8] =	ssyncset.s32 @!p0 $0xFFFFF086;
	s6 =	sadd.s32 @!p0 s3, s7;
	s7 =	simm.s32 @!p0 $0x108  }
0x21: {  	s3 =	sadd.s32 s3, s9;
	s6 =	sadd.s32 @!p0 $0x88, s6;
	s7 =	simm.s32 @p2 $0x1082  }
0x22: {  	[simem:s7], [sflag:s8] =	dma.local @!p0 [hbm:s6], $0xF7A  }
0x23: {  	s9 =	sor.u32 $0xD0000000, s2;
	s6 =	simm.s32 $0x108;
	_ =	swait.ge @!p0 [sflag:s8], $0x0  }
0x24: {  	s3 =	sadd.s32 $0x88, s3;
	s6 =	simm.s32 @!p1 $0x1082;
	[sflag:s4] =	ssyncset.s32 $0xFFFFF086  }
0x25: {  	[simem:s6], [sflag:s4] =	dma.local [hbm:s3], $0xF7A  }
0x26: {  	[smem:$0x3F9F] =	sst s1;
	(tag) =	ssettag s2;
	_ =	strace s9  }
0x27: {  	s1 =	sld [smem:$0x3FAF]  }
0x28: {  	s2 =	sld [smem:$0x3FB0]  }
0x29: {  	s4 =	sld [smem:$0x3FB2]  }
0x2a: {  	p0 =	seq.s32 s5, $0x0;
	s5 =	sld [smem:$0x3FB3]  }
0x2b: {  	s6 =	sld [smem:$0x3FB4]  }
0x2c: {  	s7 =	sld [smem:$0x3FB5]  }
0x2d: {  	s3 =	simm.s32 $0x108;
	s8 =	sld [smem:$0x3FB6]  }
0x2e: {  	s3 =	simm.s32 @!p0 $0x1082;
	s9 =	sld [smem:$0x3FB7]  }
0x2f: {  	lr =	sadd.s32 s0, s3;
	s0 =	sld [smem:$0x3FAE]  }
0x30: {  	s3 =	sld [smem:$0x3FB1]  }
0x31: {  	[smem:$0x3FBA] =	sst s10  }
0x32: {  	s10 =	sld [smem:$0x3FB8];
	_ =	sdelay $0x3  }
0x33: {  	p0 =	seq.s32 s10, $0x1;
	s10 =	sld [smem:$0x3FBA];
	_ =	sdelay $0x3  }
0x34: {  	[smem:$0x3FBA] =	sst s10  }
0x35: {  	s10 =	sld [smem:$0x3FB9];
	_ =	sdelay $0x3  }
0x36: {  	p1 =	seq.s32 s10, $0x1;
	s10 =	sld [smem:$0x3FBA];
	_ =	sdelay $0x3  }
0x37: {  	[smem:$0x3FBA] =	sst s10  }
0x38: {  	s10 =	sld [smem:$0x3FBB]  }
0x39: {  	_ = 	snop;
	(pc) =	sbr.ind lr, $3  }
0x3a: {  	_ = 	snop  }
0x3b: {  	_ = 	snop  }
0x3c: {  	p2 =	seq.s32 s10, $0x1;
	s10 =	sld [smem:$0x3FBA]  }
0x3d: {  	_ =	shalt  }
0x3e: {  	_ =	shalt  }
0x3f: {  	_ =	shalt  }
0x40: {  	_ =	shalt  }
0x41: {  	_ =	shalt  }
0x42: {  	_ =	shalt  }
0x43: {  	_ =	shalt  }
0x44: {  	_ =	shalt  }
0x45: {  	_ =	shalt  }
0x46: {  	_ =	shalt  }
0x47: {  	_ =	shalt  }
0x48: {  	_ =	shalt  }
0x49: {  	_ =	shalt  }
0x4a: {  	_ =	shalt  }
0x4b: {  	_ =	shalt  }
0x4c: {  	_ =	shalt  }
0x4d: {  	_ =	shalt  }
0x4e: {  	_ =	shalt  }
0x4f: {  	_ =	shalt  }
0x50: {  	_ =	shalt  }
0x51: {  	_ =	shalt  }
0x52: {  	_ =	shalt  }
0x53: {  	_ =	shalt  }
0x54: {  	_ =	shalt  }
0x55: {  	_ =	shalt  }
0x56: {  	_ =	shalt  }
0x57: {  	_ =	shalt  }
0x58: {  	_ =	shalt  }
0x59: {  	_ =	shalt  }
0x5a: {  	_ =	shalt  }
0x5b: {  	_ =	shalt  }
0x5c: {  	_ =	shalt  }
0x5d: {  	_ =	shalt  }
0x5e: {  	_ =	shalt  }
0x5f: {  	_ =	shalt  }
0x60: {  	_ =	shalt  }
0x61: {  	_ =	shalt  }
0x62: {  	_ =	shalt  }
0x63: {  	_ =	shalt  }
0x64: {  	_ =	shalt  }
0x65: {  	_ =	shalt  }
0x66: {  	_ =	shalt  }
0x67: {  	_ =	shalt  }
0x68: {  	_ =	shalt  }
0x69: {  	_ =	shalt  }
0x6a: {  	_ =	shalt  }
0x6b: {  	_ =	shalt  }
0x6c: {  	_ =	shalt  }
0x6d: {  	_ =	shalt  }
0x6e: {  	_ =	shalt  }
0x6f: {  	_ =	shalt  }
0x70: {  	_ =	shalt  }
0x71: {  	_ =	shalt  }
0x72: {  	_ =	shalt  }
0x73: {  	_ =	shalt  }
0x74: {  	_ =	shalt  }
0x75: {  	_ =	shalt  }
0x76: {  	_ =	shalt  }
0x77: {  	_ =	shalt  }
0x78: {  	_ =	shalt  }
0x79: {  	_ =	shalt  }
0x7a: {  	_ =	shalt  }
0x7b: {  	_ =	shalt  }
0x7c: {  	_ =	shalt  }
0x7d: {  	_ =	shalt  }
0x7e: {  	_ =	shalt  }
0x7f: {  	_ =	shalt  }
0x80: {  	_ =	shalt  }
0x81: {  	_ =	shalt  }
0x82: {  	_ =	shalt  }
0x83: {  	_ =	shalt  }
0x84: {  	_ =	shalt  }
0x85: {  	_ =	shalt  }
0x86: {  	_ =	shalt  }
0x87: {  	_ =	shalt  }
.Lfunc_end0:
.L_simem_size_0:
called_computation_lowered:
.L_overlay_start_0:
0x88: {  	s2 =	sld [smem:$0x3FD9]  }
0x89: {  	s3 =	sld [smem:$0x3FFE];
	_ =	sdelay $0x1  }
0x8a: {  	s1 =	srdreg.scid  }
0x8b: {  	s0 =	sand.u32 $0x1, s1  }
0x8c: {  	s17 =	sshll.u32 s0, $0xA;
	s2 =	sadd.s32 s3, s2  }
0x8d: {  	s2 =	sadd.s32 s2, s17  }
0x8e: {  	[smem:$0x3FC6] =	sst s2  }
0x8f: {  	_ = 	snop  }
0x90: {  	s2 =	sld [smem:$0x3FC8]  }
0x91: {  	s18 =	sld [smem:$0x3FD0];
	(tm) =	ssettm $0x1  }
0x92: {  	s4 =	sld [smem:$0x3FFB];
	_ =	sdelay $0x3  }
0x93: {  	_ =	strace s4  }
0x94: {  	s4 =	sld [smem:$0x3FFC];
	_ =	sdelay $0x3  }
0x95: {  	_ =	strace s4  }
0x96: {  	s4 =	sld [smem:$0x3FFD];
	_ =	sdelay $0x3  }
0x97: {  	_ =	strace s4  }
0x98: {  	_ =	strace $0x8FFFFFFF  }
0x99: {  	s19 =	sld [smem:$0x3FDB];
	_ =	sdelay $0x1  }
0x9a: {  	s5 =	simm.s32 $_scs_section_size  }
0x9b: {  	s6 =	simm.s32 $_size__tile_overlayer_lowered;
	s7 =	simm.s32 $_tile_overlayer_lowered  }
0x9c: {  	s22 =	simm.s32 $0x1BFF;
	s21 =	sshll.u32 s7, $0x1;
	s4 =	sadd.s32 s5, s19  }
0x9d: {  	s8 =	simm.s32 $0x0;
	s20 =	sshll.u32 s6, $0x1;
	s6 =	sadd.s32 s21, s4  }
0x9e: {  	[timem:s8], [sflag:s22] =	dma.local [hbm:s6], s20  }
0x9f: {  	_ =	swait.ge [sflag:s22], s20  }
0xa0: {  	s5 =	ssub.s32 $0x0, s20;
	[sflag:s22] =	ssyncset.done $0x0  }
0xa1: {  	[sflag:s22] =	ssyncadd.s32 s5;
	_ =	sdelay $0x1  }
0xa2: {  	s23 =	simm.s32 $0x1B8B  }
0xa3: {  	_ =	swait.ge [sflag:s23], $0x1  }
0xa4: {  	[sflag:s23] =	ssyncset.done $0x0  }
0xa5: {  	s25 =	simm.s32 $0x1B8E;
	s24 =	sld [smem:$0x3FFE];
	[sflag:s23] =	ssyncadd.s32 $0xFFFFFFFF  }
0xa6: {  	s26 =	simm.s32 $execute0_lowered;
	[smem:$0x3FD2] =	sst s25  }
0xa7: {  	s6 =	sshll.u32 s26, $0x1;
	_ =	strace $0x80000046;
	[dreg:$0x1] =	wrdreg $0xFFFFFFFF  }
0xa8: {  	s28 =	simm.s32 $_size_execute0_lowered;
	s4 =	sadd.s32 s4, s6;
	[dreg:$0x0] =	wrdreg $0x0  }
0xa9: {  	s6 =	sshll.u32 s28, $0x1;
	[dreg:$0x2] =	wrdreg s4  }
0xaa: {  	[dreg:$0x3] =	wrdreg s6  }
0xab: {  	[dreg:$0x4] =	wrdreg $0xC0  }
0xac: {  	_ =	task [dreg:s8], $0x5FFFF  }
0xad: {  	[dreg:$0x1] =	wrdreg $0xFFFFFFFF  }
0xae: {  	[dreg:$0x0] =	wrdreg $0x60  }
0xaf: {  	[dreg:$0x2] =	wrdreg s24  }
0xb0: {  	[dreg:$0x3] =	wrdreg s2  }
0xb1: {  	[dreg:$0x4] =	wrdreg s18  }
0xb2: {  	[dreg:$0x5] =	wrdreg $0x9  }
0xb3: {  	_ =	task.clear_ibuf [dreg:s8], $0x6FFFF;
	_ =	strace $0x90000046  }
0xb4: {  	s29 =	simm.s32 $0x9;
	_ =	strace $0x80000048  }
0xb5: {  	_ =	swait.ge [sflag:s29], $0x1  }
0xb6: {  	[sflag:s29] =	ssyncadd.s32 $0xFFFFFFFF  }
0xb7: {  	_ =	strace $0x90000048  }
0xb8: {  	_ =	sfence  }
0xb9: {  	s30 =	sld [smem:$0x0];
	_ =	sdelay $0x2  }
0xba: {  	s31 =	sshll.u32 s1, $0xD;
	s1 =	sshrl.u32 s1, $0x2  }
0xbb: {  	s3 =	sand.u32 $0x4000, s31;
	s1 =	sadd.s32 s1, s30  }
0xbc: {  	s0 =	sor.u32 s3, s0;
	s1 =	sshll.u32 s1, $0x11  }
0xbd: {  	s0 =	sor.u32 s1, s0  }
0xbe: {  	s0 =	sadd.s32 $0x8F2B, s0  }
0xbf: {  	[sflag:s0] =	ssyncadd.remote.s32 $0x1  }
0xc0: {  	_ =	sfence.sel $0xFFFF  }
0xc1: {  	[dreg:$0x0] =	wrdreg $0xFFFFFFFF;
	(pc) =	sbr.abs _section_cstart, $3  }
0xc2: {  	[dreg:$0x1] =	wrdreg $0xFFFFFFFF  }
0xc3: {  	_ =	task.clear_ibuf [dreg:s8], $0x2FFFF;
	_ =	strace $0x9FFFFFFF  }
0xc4: {  	(tm) =	ssettm $0x7FFFFFFF  }
0xc5: {  	_ =	shalt  }
tec
execute0_lowered:
.L_overlay_start_1:
0x0: {  	(tag) =	ssettag $0x1  }
0x1: {  	s0 =	rddreg [dreg:$0x0]  }
0x2: {  	s2 =	rddreg [dreg:$0x1];
	s1 =	srdreg.scid  }
0x3: {  	s7 =	rddreg [dreg:$0x2];
	s8 =	stileid.u32;
	s3 =	simm.s32 $0x0  }
0x4: {  	s12 =	simm.s32 $0x8900;
	s13 =	simm.s32 $0x9100;
	s14 =	simm.s32 $0x9900  }
0x5: {  	s15 =	simm.s32 $0xA100;
	s16 =	simm.s32 $0xA900;
	s17 =	simm.s32 $0xB100  }
0x6: {  	s18 =	simm.s32 $0xB900;
	s19 =	simm.s32 $0xC100;
	[smem:$0x7FF] =	sst s3  }
0x7: {  	s21 =	simm.s32 $0xC900;
	_ =	strace $0x80000047;
	[dreg:$0x5] =	wrdreg s12  }
0x8: {  	s22 =	simm.s32 $0xD100;
	s23 =	simm.s32 $0xD900;
	[dreg:$0x6] =	wrdreg s13  }
0x9: {  	s24 =	simm.s32 $0xE100;
	s25 =	simm.s32 $0xE900;
	[dreg:$0x7] =	wrdreg s14  }
0xa: {  	s26 =	simm.s32 $0xF100;
	s28 =	simm.s32 $0xF900;
	[dreg:$0x8] =	wrdreg s15  }
0xb: {  	s29 =	simm.s32 $0x8100;
	s30 =	simm.s32 $0x1;
	[dreg:$0x9] =	wrdreg s16  }
0xc: {  	s31 =	simm.s32 $0x2;
	s1 =	sand.u32 $0x1, s1;
	[dreg:$0xa] =	wrdreg s17  }
0xd: {  	s4 =	sshll.u32 s8, $0x9;
	s11 =	sshll.u32 s8, $0x12;
	[dreg:$0xb] =	wrdreg s18  }
0xe: {  	s8 =	sadd.s32 $0x400, s2;
	s9 =	sadd.s32 $0x500, s2;
	[dreg:$0xc] =	wrdreg s19  }
0xf: {  	s5 =	sshll.u32 s1, $0x8;
	s10 =	ssub.s32 $0x2, s1;
	[dreg:$0xd] =	wrdreg s21  }
0x10: {  	s1 =	sshll.u32 s1, $0x11;
	s12 =	sadd.s32 $0x800, s2;
	[dreg:$0xe] =	wrdreg s22  }
0x11: {  	s13 =	sadd.s32 $0x900, s2;
	s14 =	sadd.s32 $0xA00, s2;
	[dreg:$0xf] =	wrdreg s23  }
0x12: {  	s15 =	sadd.s32 $0xB00, s2;
	s16 =	sadd.s32 $0xC00, s2;
	[dreg:$0x10] =	wrdreg s24  }
0x13: {  	s17 =	sadd.s32 $0xD00, s2;
	s18 =	sadd.s32 $0xE00, s2;
	[dreg:$0x11] =	wrdreg s25  }
0x14: {  	s19 =	sadd.s32 $0xF00, s2;
	s21 =	simm.s32 $0x5;
	[dreg:$0x12] =	wrdreg s26  }
0x15: {  	s22 =	simm.s32 $0x100;
	[dreg:$0x13] =	wrdreg s28;
	s4 =	sor.u32 s5, s4  }
0x16: {  	s23 =	simm.s32 $0x0;
	s6 =	sshrl.u32 s10, $0x1;
	s4 =	sshrl.u32 s4, $0x3  }
0x17: {  	s5 =	sadd.s32 $0x100, s2;
	s20 =	ssub.s32 s10, s6;
	s0 =	sadd.s32 s4, s0  }
0x18: {  	s6 =	sadd.s32 $0x200, s2;
	s10 =	sadd.s32 $0x600, s2;
	s0 =	sadd.s32 $0x400, s0  }
0x19: {  	v0 =	vlaneseq.u32;
	s20 =	smax.u32 s20, $0x1;
	[dreg:$0x14] =	wrdreg s0;
	s0 =	sadd.s32 s11, s7  }
0x1a: {  	v1 =	vshrl.u32 v0, $0x3;
	s7 =	sadd.s32 $0x300, s2;
	s11 =	sadd.s32 $0x700, s2;
	s0 =	sadd.s32 s1, s0  }
0x1b: {  	vm0 =	vmmov $0xffff;
	v0 =	vand.u32 $0x7, v0;
	v1 =	vmul.u32 $0x8, v1;
	s1 =	simm.s32 $0x4;
	[dreg:$0x4] =	wrdreg s0;
	s0 =	simm.s32 $0x3  }
.LBB2_1:
0x1c: {  	s4 =	rddreg [dreg:$0x14]  }
0x1d: {  	[tilespmem:s3], [sflag:$0x5] =	stream.linear.gather [hbm4b:s4+s3], $0x100, $0x38;
	[tilespmem:$0x10100] =	vst v63  }
0x1e: {  	_ =	swait.ge [sflag:s21], $0x100  }
0x1f: {  	[sflag:s21] =	ssyncset.done $0x0  }
0x20: {  	[sflag:s21] =	ssyncadd.s32 $0xFFFFFF00  }
0x21: {  	v2 =	vld.msk [tilespmem:$0x0], $0xff;
	_ =	sdelay $0x4  }
0x22: {  	v3 =	vshll.u32 v2, $0x5  }
0x23: {  	v2 =	vand.u32 $0x7, v2;
	v3 =	vand.u32 $0xFFFFFF00, v3  }
0x24: {  	v2 =	vor.u32 v2, v3  }
0x25: {  	v2 =	vperm.xlane v2, v0;
	_ =	sdelay $0x1  }
0x26: {  	v2 =	vadd.s32 v1, v2;
	_ =	sdelay $0x4  }
0x27: {  	[tilespmem:s22], [sflag:$0x1] =	stream.indirect_vreg.gather [hbm4b:s2+s3], $0x80, v2, vm0, $0xb8;
	[tilespmem:$0x10100] =	vst v63  }
0x28: {  	s25 =	simm.s32 $0x900  }
0x29: {  	[tilespmem:s25], [sflag:$0x1] =	stream.indirect_vreg.gather [hbm4b:s5+s3], $0x80, v2, vm0, $0xb8;
	[tilespmem:$0x10100] =	vst v63  }
0x2a: {  	s26 =	simm.s32 $0x1100  }
0x2b: {  	[tilespmem:s26], [sflag:$0x1] =	stream.indirect_vreg.gather [hbm4b:s6+s3], $0x80, v2, vm0, $0xb8;
	[tilespmem:$0x10100] =	vst v63  }
0x2c: {  	s28 =	simm.s32 $0x1900  }
0x2d: {  	[tilespmem:s28], [sflag:$0x1] =	stream.indirect_vreg.gather [hbm4b:s7+s3], $0x80, v2, vm0, $0xb8;
	[tilespmem:$0x10100] =	vst v63  }
0x2e: {  	s24 =	simm.s32 $0x2100  }
0x2f: {  	[tilespmem:s24], [sflag:$0x1] =	stream.indirect_vreg.gather [hbm4b:s8+s3], $0x80, v2, vm0, $0xb8;
	[tilespmem:$0x10100] =	vst v63  }
0x30: {  	s25 =	simm.s32 $0x2900  }
0x31: {  	[tilespmem:s25], [sflag:$0x1] =	stream.indirect_vreg.gather [hbm4b:s9+s3], $0x80, v2, vm0, $0xb8;
	[tilespmem:$0x10100] =	vst v63  }
0x32: {  	s26 =	simm.s32 $0x3100  }
0x33: {  	[tilespmem:s26], [sflag:$0x1] =	stream.indirect_vreg.gather [hbm4b:s10+s3], $0x80, v2, vm0, $0xb8;
	[tilespmem:$0x10100] =	vst v63  }
0x34: {  	s28 =	simm.s32 $0x3900  }
0x35: {  	[tilespmem:s28], [sflag:$0x1] =	stream.indirect_vreg.gather [hbm4b:s11+s3], $0x80, v2, vm0, $0xb8;
	[tilespmem:$0x10100] =	vst v63  }
0x36: {  	s24 =	simm.s32 $0x4100  }
0x37: {  	[tilespmem:s24], [sflag:$0x1] =	stream.indirect_vreg.gather [hbm4b:s12+s3], $0x80, v2, vm0, $0xb8;
	[tilespmem:$0x10100] =	vst v63  }
0x38: {  	s25 =	simm.s32 $0x4900  }
0x39: {  	[tilespmem:s25], [sflag:$0x1] =	stream.indirect_vreg.gather [hbm4b:s13+s3], $0x80, v2, vm0, $0xb8;
	[tilespmem:$0x10100] =	vst v63  }
0x3a: {  	s26 =	simm.s32 $0x5100  }
0x3b: {  	[tilespmem:s26], [sflag:$0x1] =	stream.indirect_vreg.gather [hbm4b:s14+s3], $0x80, v2, vm0, $0xb8;
	[tilespmem:$0x10100] =	vst v63  }
0x3c: {  	s28 =	simm.s32 $0x5900  }
0x3d: {  	[tilespmem:s28], [sflag:$0x1] =	stream.indirect_vreg.gather [hbm4b:s15+s3], $0x80, v2, vm0, $0xb8;
	[tilespmem:$0x10100] =	vst v63  }
0x3e: {  	s24 =	simm.s32 $0x6100  }
0x3f: {  	[tilespmem:s24], [sflag:$0x1] =	stream.indirect_vreg.gather [hbm4b:s16+s3], $0x80, v2, vm0, $0xb8;
	[tilespmem:$0x10100] =	vst v63  }
0x40: {  	s25 =	simm.s32 $0x6900  }
0x41: {  	[tilespmem:s25], [sflag:$0x1] =	stream.indirect_vreg.gather [hbm4b:s17+s3], $0x80, v2, vm0, $0xb8;
	[tilespmem:$0x10100] =	vst v63  }
0x42: {  	s26 =	simm.s32 $0x7100  }
0x43: {  	[tilespmem:s26], [sflag:$0x1] =	stream.indirect_vreg.gather [hbm4b:s18+s3], $0x80, v2, vm0, $0xb8;
	[tilespmem:$0x10100] =	vst v63  }
0x44: {  	s28 =	simm.s32 $0x7900;
	s24 =	simm.s32 $0x10;
	s25 =	simm.s32 $0x0  }
0x45: {  	[tilespmem:s28], [sflag:$0x1] =	stream.indirect_vreg.gather [hbm4b:s19+s3], $0x80, v2, vm0, $0xb8;
	[tilespmem:$0x10100] =	vst v63  }
.LBB2_2:
0x46: {  	p0 =	seq.s32 s25, $0x0  }
0x47: {  	s26 =	simm.s32 @!p0 $0x4  }
0x48: {  	_ =	swait.ge @!p0 [sflag:s26], $0x8000  }
0x49: {  	[sflag:s26] =	ssyncset.done @!p0 $0x0  }
0x4a: {  	[sflag:s26] =	ssyncadd.s32 @!p0 $0xFFFF8000  }
0x4b: {  	v2 =	vld.msk [tilespmem:s24+$0xFFFFFFF8], $0xff;
	_ =	sdelay $0x4  }
0x4c: {  	v3 =	vshll.u32 v2, $0x5  }
0x4d: {  	v2 =	vand.u32 $0x7, v2;
	v3 =	vand.u32 $0xFFFFFF00, v3  }
0x4e: {  	v2 =	vor.u32 v2, v3  }
0x4f: {  	v2 =	vperm.xlane v2, v0;
	_ =	sdelay $0x1  }
0x50: {  	v2 =	vadd.s32 v1, v2;
	_ =	sdelay $0x4  }
0x51: {  	[tilespmem:s29], [sflag:$0x2] =	stream.indirect_vreg.gather [hbm4b:s2+s3], $0x80, v2, vm0, $0xb8;
	[tilespmem:$0x10100] =	vst v63  }
0x52: {  	s4 =	rddreg [dreg:$0x5]  }
0x53: {  	[tilespmem:s4], [sflag:$0x2] =	stream.indirect_vreg.gather [hbm4b:s5+s3], $0x80, v2, vm0, $0xb8;
	[tilespmem:$0x10100] =	vst v63  }
0x54: {  	s28 =	rddreg [dreg:$0x6]  }
0x55: {  	[tilespmem:s28], [sflag:$0x2] =	stream.indirect_vreg.gather [hbm4b:s6+s3], $0x80, v2, vm0, $0xb8;
	[tilespmem:$0x10100] =	vst v63  }
0x56: {  	s4 =	rddreg [dreg:$0x7]  }
0x57: {  	[tilespmem:s4], [sflag:$0x2] =	stream.indirect_vreg.gather [hbm4b:s7+s3], $0x80, v2, vm0, $0xb8;
	[tilespmem:$0x10100] =	vst v63  }
0x58: {  	s28 =	rddreg [dreg:$0x8]  }
0x59: {  	[tilespmem:s28], [sflag:$0x2] =	stream.indirect_vreg.gather [hbm4b:s8+s3], $0x80, v2, vm0, $0xb8;
	[tilespmem:$0x10100] =	vst v63  }
0x5a: {  	s4 =	rddreg [dreg:$0x9]  }
0x5b: {  	[tilespmem:s4], [sflag:$0x2] =	stream.indirect_vreg.gather [hbm4b:s9+s3], $0x80, v2, vm0, $0xb8;
	[tilespmem:$0x10100] =	vst v63  }
0x5c: {  	s28 =	rddreg [dreg:$0xa]  }
0x5d: {  	[tilespmem:s28], [sflag:$0x2] =	stream.indirect_vreg.gather [hbm4b:s10+s3], $0x80, v2, vm0, $0xb8;
	[tilespmem:$0x10100] =	vst v63  }
0x5e: {  	s4 =	rddreg [dreg:$0xb]  }
0x5f: {  	[tilespmem:s4], [sflag:$0x2] =	stream.indirect_vreg.gather [hbm4b:s11+s3], $0x80, v2, vm0, $0xb8;
	[tilespmem:$0x10100] =	vst v63  }
0x60: {  	s28 =	rddreg [dreg:$0xc]  }
0x61: {  	[tilespmem:s28], [sflag:$0x2] =	stream.indirect_vreg.gather [hbm4b:s12+s3], $0x80, v2, vm0, $0xb8;
	[tilespmem:$0x10100] =	vst v63  }
0x62: {  	s4 =	rddreg [dreg:$0xd]  }
0x63: {  	[tilespmem:s4], [sflag:$0x2] =	stream.indirect_vreg.gather [hbm4b:s13+s3], $0x80, v2, vm0, $0xb8;
	[tilespmem:$0x10100] =	vst v63  }
0x64: {  	s28 =	rddreg [dreg:$0xe]  }
0x65: {  	[tilespmem:s28], [sflag:$0x2] =	stream.indirect_vreg.gather [hbm4b:s14+s3], $0x80, v2, vm0, $0xb8;
	[tilespmem:$0x10100] =	vst v63  }
0x66: {  	s4 =	rddreg [dreg:$0xf]  }
0x67: {  	[tilespmem:s4], [sflag:$0x2] =	stream.indirect_vreg.gather [hbm4b:s15+s3], $0x80, v2, vm0, $0xb8;
	[tilespmem:$0x10100] =	vst v63  }
0x68: {  	s28 =	rddreg [dreg:$0x10]  }
0x69: {  	[tilespmem:s28], [sflag:$0x2] =	stream.indirect_vreg.gather [hbm4b:s16+s3], $0x80, v2, vm0, $0xb8;
	[tilespmem:$0x10100] =	vst v63  }
0x6a: {  	s4 =	rddreg [dreg:$0x11]  }
0x6b: {  	[tilespmem:s4], [sflag:$0x2] =	stream.indirect_vreg.gather [hbm4b:s17+s3], $0x80, v2, vm0, $0xb8;
	[tilespmem:$0x10100] =	vst v63  }
0x6c: {  	s28 =	rddreg [dreg:$0x12]  }
0x6d: {  	[tilespmem:s28], [sflag:$0x2] =	stream.indirect_vreg.gather [hbm4b:s18+s3], $0x80, v2, vm0, $0xb8;
	[tilespmem:$0x10100] =	vst v63  }
0x6e: {  	s4 =	rddreg [dreg:$0x13]  }
0x6f: {  	[tilespmem:s4], [sflag:$0x2] =	stream.indirect_vreg.gather [hbm4b:s19+s3], $0x80, v2, vm0, $0xb8;
	[tilespmem:$0x10100] =	vst v63  }
0x70: {  	_ =	swait.ge [sflag:s30], $0x8000  }
0x71: {  	p0 =	seq.s32 s25, $0x1E000;
	s4 =	rddreg [dreg:$0x4];
	[sflag:s30] =	ssyncset.done $0x0  }
0x72: {  	s28 =	simm.s32 @!p0 $0x3;
	[sflag:s30] =	ssyncadd.s32 $0xFFFF8000;
	s26 =	sadd.s32 s25, s4  }
0x73: {  	[hbm4b:s26+s3] =	stream.linear.scatter [tilespmem:s22], [sflag:$0x3], $0x8000, $0x38;
	[tilespmem:$0x10100] =	vst v63  }
0x74: {  	_ =	swait.ge @!p0 [sflag:s28], $0x8000  }
0x75: {  	[sflag:s28] =	ssyncset.done @!p0 $0x0  }
0x76: {  	[sflag:s28] =	ssyncadd.s32 @!p0 $0xFFFF8000  }
0x77: {  	v2 =	vld.msk @!p0 [tilespmem:s24+$0x0], $0xff;
	_ =	sdelay $0x4  }
0x78: {  	v3 =	vshll.u32 @!p0 v2, $0x5  }
0x79: {  	v4 =	vlaneseq.u32 @!p0;
	v2 =	vand.u32 @!p0 $0x7, v2;
	v3 =	vand.u32 @!p0 $0xFFFFFF00, v3  }
0x7a: {  	v2 =	vor.u32 @!p0 v2, v3;
	v3 =	vand.u32 @!p0 $0x7, v4;
	v4 =	vshrl.u32 @!p0 v4, $0x3  }
0x7b: {  	v2 =	vperm.xlane @!p0 v2, v3;
	v3 =	vmul.u32 @!p0 $0x8, v4;
	_ =	sdelay $0x1  }
0x7c: {  	v2 =	vadd.s32 @!p0 v3, v2;
	_ =	sdelay $0x3  }
0x7d: {  	vm1 =	vmmov @!p0 $0xffff;
	s4 =	simm.s32 @!p0 $0x100;
	s28 =	simm.s32 @!p0 $0x0  }
0x7e: {  	[tilespmem:s4], [sflag:$0x1] =	stream.indirect_vreg.gather @!p0 [hbm4b:s2+s28], $0x80, v2, vm1, $0xb8;
	[tilespmem:$0x10100] =	vst v63  }
0x7f: {  	s4 =	simm.s32 @!p0 $0x900  }
0x80: {  	[tilespmem:s4], [sflag:$0x1] =	stream.indirect_vreg.gather @!p0 [hbm4b:s5+s28], $0x80, v2, vm1, $0xb8;
	[tilespmem:$0x10100] =	vst v63  }
0x81: {  	s4 =	simm.s32 @!p0 $0x1100  }
0x82: {  	[tilespmem:s4], [sflag:$0x1] =	stream.indirect_vreg.gather @!p0 [hbm4b:s6+s28], $0x80, v2, vm1, $0xb8;
	[tilespmem:$0x10100] =	vst v63  }
0x83: {  	s4 =	simm.s32 @!p0 $0x1900  }
0x84: {  	[tilespmem:s4], [sflag:$0x1] =	stream.indirect_vreg.gather @!p0 [hbm4b:s7+s28], $0x80, v2, vm1, $0xb8;
	[tilespmem:$0x10100] =	vst v63  }
0x85: {  	s4 =	simm.s32 @!p0 $0x2100  }
0x86: {  	[tilespmem:s4], [sflag:$0x1] =	stream.indirect_vreg.gather @!p0 [hbm4b:s8+s28], $0x80, v2, vm1, $0xb8;
	[tilespmem:$0x10100] =	vst v63  }
0x87: {  	s4 =	simm.s32 @!p0 $0x2900  }
0x88: {  	[tilespmem:s4], [sflag:$0x1] =	stream.indirect_vreg.gather @!p0 [hbm4b:s9+s28], $0x80, v2, vm1, $0xb8;
	[tilespmem:$0x10100] =	vst v63  }
0x89: {  	s4 =	simm.s32 @!p0 $0x3100  }
0x8a: {  	[tilespmem:s4], [sflag:$0x1] =	stream.indirect_vreg.gather @!p0 [hbm4b:s10+s28], $0x80, v2, vm1, $0xb8;
	[tilespmem:$0x10100] =	vst v63  }
0x8b: {  	s4 =	simm.s32 @!p0 $0x3900  }
0x8c: {  	[tilespmem:s4], [sflag:$0x1] =	stream.indirect_vreg.gather @!p0 [hbm4b:s11+s28], $0x80, v2, vm1, $0xb8;
	[tilespmem:$0x10100] =	vst v63  }
0x8d: {  	s4 =	simm.s32 @!p0 $0x4100  }
0x8e: {  	[tilespmem:s4], [sflag:$0x1] =	stream.indirect_vreg.gather @!p0 [hbm4b:s12+s28], $0x80, v2, vm1, $0xb8;
	[tilespmem:$0x10100] =	vst v63  }
0x8f: {  	s4 =	simm.s32 @!p0 $0x4900  }
0x90: {  	[tilespmem:s4], [sflag:$0x1] =	stream.indirect_vreg.gather @!p0 [hbm4b:s13+s28], $0x80, v2, vm1, $0xb8;
	[tilespmem:$0x10100] =	vst v63  }
0x91: {  	s4 =	simm.s32 @!p0 $0x5100  }
0x92: {  	[tilespmem:s4], [sflag:$0x1] =	stream.indirect_vreg.gather @!p0 [hbm4b:s14+s28], $0x80, v2, vm1, $0xb8;
	[tilespmem:$0x10100] =	vst v63  }
0x93: {  	s4 =	simm.s32 @!p0 $0x5900  }
0x94: {  	[tilespmem:s4], [sflag:$0x1] =	stream.indirect_vreg.gather @!p0 [hbm4b:s15+s28], $0x80, v2, vm1, $0xb8;
	[tilespmem:$0x10100] =	vst v63  }
0x95: {  	s4 =	simm.s32 @!p0 $0x6100  }
0x96: {  	[tilespmem:s4], [sflag:$0x1] =	stream.indirect_vreg.gather @!p0 [hbm4b:s16+s28], $0x80, v2, vm1, $0xb8;
	[tilespmem:$0x10100] =	vst v63  }
0x97: {  	s4 =	simm.s32 @!p0 $0x6900  }
0x98: {  	[tilespmem:s4], [sflag:$0x1] =	stream.indirect_vreg.gather @!p0 [hbm4b:s17+s28], $0x80, v2, vm1, $0xb8;
	[tilespmem:$0x10100] =	vst v63  }
0x99: {  	s4 =	simm.s32 @!p0 $0x7100  }
0x9a: {  	[tilespmem:s4], [sflag:$0x1] =	stream.indirect_vreg.gather @!p0 [hbm4b:s18+s28], $0x80, v2, vm1, $0xb8;
	[tilespmem:$0x10100] =	vst v63  }
0x9b: {  	s25 =	sadd.s32 $0x2000, s25;
	s4 =	simm.s32 @!p0 $0x7900  }
0x9c: {  	[tilespmem:s4], [sflag:$0x1] =	stream.indirect_vreg.gather @!p0 [hbm4b:s19+s28], $0x80, v2, vm1, $0xb8;
	[tilespmem:$0x10100] =	vst v63  }
0x9d: {  	p0 =	sne.s32 s25, $0x20000  }
.Ltmp0:
0x9e: {  	_ = 	snop;
	(pc) =	sbr.rel @p0 .LBB2_2-.Ltmp0, $4  }
0x9f: {  	_ =	swait.ge [sflag:s31], $0x8000  }
0xa0: {  	[sflag:s31] =	ssyncset.done $0x0  }
0xa1: {  	s24 =	sadd.s32 $0x10, s24;
	s28 =	sadd.s32 $0x1000, s26;
	[sflag:s31] =	ssyncadd.s32 $0xFFFF8000  }
0xa2: {  	[hbm4b:s28+s3] =	stream.linear.scatter [tilespmem:s29], [sflag:$0x4], $0x8000, $0x38;
	[tilespmem:$0x10100] =	vst v63  }
0xa3: {  	s23 =	sadd.s32 $0x1, s23  }
0xa4: {  	_ =	swait.ge [sflag:s0], $0x8000;
	p0 =	sne.s32 s23, s20  }
.Ltmp1:
0xa5: {  	[sflag:s0] =	ssyncset.done $0x0;
	(pc) =	sbr.rel @p0 .LBB2_1-.Ltmp1, $4  }
0xa6: {  	[sflag:s0] =	ssyncadd.s32 $0xFFFF8000  }
0xa7: {  	_ =	swait.ge [sflag:s1], $0x8000  }
0xa8: {  	[sflag:s1] =	ssyncset.done $0x0  }
0xa9: {  	[sflag:s1] =	ssyncadd.s32 $0xFFFF8000  }
0xaa: {  	_ =	sfence.sel $0x180000  }
0xab: {  	[bflag:$0x0] =	sbarrier.arrive $0xFFFF  }
0xac: {  	_ =	strace $0x90000047  }
0xad: {  	s0 =	stileid.u32;
	[bflag:$0x2] =	sbarrier.arrive $0xFFFF  }
0xae: {  	p0 =	sne.s32 s0, $0x0;
	s0 =	rddreg [dreg:$0x3]  }
0xaf: {  	s0 =	sadd.s32 @!p0 $0x100000, s0  }
0xb0: {  	[sflag:s0] =	ssyncadd.tile.s32 @!p0 $0x1;
	_ =	shalt  }
.Lfunc_end2:
_tile_overlayer_lowered:
.L_overlay_start_2:
0xb1: {  	(tag) =	ssettag $0x2  }
0xb2: {  	s0 =	rddreg [dreg:$0x0];
	s2 =	stileid.u32  }
0xb3: {  	s1 =	rddreg [dreg:$0x1];
	p0 =	sne.s32 s2, $0x0  }
0xb4: {  	s3 =	rddreg [dreg:$0x2];
	[bflag:$0x3] =	sbarrier.arrive $0xFFFF;
	s2 =	simm.s32 @!p0 $0x1C05  }
0xb5: {  	[timem:s3], [sflag:s2] =	dma.local @!p0 [hbm:s0], s1  }
0xb6: {  	s0 =	simm.s32 @!p0 $0x5  }
0xb7: {  	_ =	swait.ge @!p0 [sflag:s0], s1  }
0xb8: {  	s1 =	ssub.s32 @!p0 $0x0, s1;
	[sflag:s0] =	ssyncset.done @!p0 $0x0  }
0xb9: {  	[sflag:s0] =	ssyncadd.s32 @!p0 s1  }
0xba: {  	[bflag:$0x3] =	sbarrier.arrive $0xFFFF  }
0xbb: {  	_ =	shalt  }

</sc_bundles>
